<compile_context>
chip_gen: v7x
topology: tpu7x:2x2x1
jax: 0.10.2.dev20260603
libtpu: 0.0.44.dev20260713+nightly
codegen_flags: <defaults>
</compile_context>

<pallas_src>
import functools

import jax
import jax.numpy as jnp
from jax import lax
from jax.experimental import pallas as pl
from jax.experimental.pallas import tpu as pltpu
from jax.experimental.pallas import tpu_sc as plsc

_LANES = 16
_N_WORKERS = 32


def _chunk_starts(mc):
    starts = list(range(0, mc - _LANES + 1, _LANES))
    if mc % _LANES:
        starts.append(mc - _LANES)
    return starts


def _build_wt_sc(units, input_dim, n_w, mc):
    units_per_w = units // _N_WORKERS
    row_len = units_per_w * input_dim
    zero_chunks = row_len // _LANES
    starts = _chunk_starts(mc)

    mesh = plsc.VectorSubcoreMesh(core_axis_name="c", subcore_axis_name="s")

    @functools.partial(
        pl.kernel,
        mesh=mesh,
        out_type=jax.ShapeDtypeStruct((units, input_dim), jnp.float32),
        scratch_types=[
            pltpu.VMEM((units_per_w, n_w, mc), jnp.int32),
            pltpu.VMEM((_LANES,), jnp.float32),
            pltpu.VMEM((row_len,), jnp.float32),
            pltpu.SemaphoreType.DMA,
        ],
        compiler_params=pltpu.CompilerParams(needs_layout_passes=False,
                                             use_tc_tiling_on_sc=True),
    )
    def build(ind_hbm, w_hbm, wt_hbm, ind_v, w_v, rows_v, sem):
        wid = lax.axis_index("s") * 2 + lax.axis_index("c")
        ubase = lax.mul(wid, units_per_w)
        cp_ind = pltpu.make_async_copy(
            ind_hbm.at[pl.ds(ubase, units_per_w)], ind_v, sem)
        cp_ind.start()
        pltpu.sync_copy(w_hbm, w_v.at[pl.ds(0, n_w)])

        @plsc.parallel_loop(0, zero_chunks, unroll=8)
        def zero_body(i):
            rows_v[pl.ds(lax.mul(i, _LANES), _LANES)] = jnp.zeros(
                (_LANES,), jnp.float32)

        cp_ind.wait()
        wv = w_v[...]

        def full(v):
            return jnp.full((_LANES,), v, jnp.int32)

        n_ci = len(starts)

        @plsc.parallel_loop(0, units_per_w * n_w * n_ci, unroll=4)
        def body(t):
            ci = lax.rem(t, n_ci)
            tk = lax.div(t, n_ci)
            k = lax.rem(tk, n_w)
            j = lax.div(tk, n_w)
            c = lax.min(lax.mul(ci, _LANES), mc - _LANES)
            idx = ind_v[j, k, pl.ds(c, _LANES)]
            val = lax.gather(
                wv, jnp.full((_LANES,), k, jnp.int32)[:, None],
                dimension_numbers=lax.GatherDimensionNumbers(
                    offset_dims=(), collapsed_slice_dims=(0,),
                    start_index_map=(0,)),
                slice_sizes=(1,),
                mode=lax.GatherScatterMode.PROMISE_IN_BOUNDS)
            mask = lax.gt(idx, full(0))
            pos = lax.add(idx, jnp.full((_LANES,), lax.sub(
                lax.mul(j, input_dim), 1), jnp.int32))
            plsc.store_scatter(rows_v, [pos], val, mask=mask)

        cps = [
            pltpu.make_async_copy(
                rows_v.at[pl.ds(j * input_dim, input_dim)],
                wt_hbm.at[lax.add(ubase, j)], sem)
            for j in range(units_per_w)
        ]
        for cp in cps:
            cp.start()
        for cp in cps:
            cp.wait()

    return build


def _matmul_tc(x, wt, b2):

    def body(x_ref, wt_ref, b_ref, o_ref):
        o_ref[...] = lax.dot_general(
            x_ref[...], wt_ref[...],
            dimension_numbers=(((1,), (1,)), ((), ())),
            preferred_element_type=jnp.float32,
        ) + b_ref[...]

    return pl.pallas_call(
        body,
        out_shape=jax.ShapeDtypeStruct((x.shape[0], wt.shape[0]),
                                       jnp.float32),
    )(x, wt, b2)


def kernel(inputs, w, b, indices):
    units, n_w, mc = indices.shape
    input_dim = inputs.shape[1]
    wt = _build_wt_sc(units, input_dim, n_w, mc)(
        indices.astype(jnp.int32), w.astype(jnp.float32))
    return _matmul_tc(inputs, wt, b.reshape(1, units))

# --- scband reference (transcript-rebuilt; emitter-appended) ---
"""Pipeline reference for scband-efficient-hashed-linear-72043781423546 (READ-ONLY COPY).

The authoritative reference and input builder live on the scoring server;
editing this copy changes nothing except your own understanding.
"""

import jax, jax.numpy as jnp
import numpy as np

UNITS = 256
N_WEIGHTS = 8
INPUT_DIM = 256
BATCH = 1024


def _build_hash_indices(input_dim, units, n_weights, seed):
    # Deterministic stand-in for the xxhash-based bucket assignment.
    # indx[i, j] in [0, n_weights) gives the weight bucket for (input i, unit j).
    rng = np.random.default_rng(seed)
    indx = rng.integers(0, n_weights, size=(input_dim, units))
    counts = np.stack([(indx == k).sum(axis=0) for k in range(n_weights)], axis=1)  # [units, n_weights]
    max_count = int(counts.max())
    out = np.zeros((units, n_weights, max_count), dtype=np.int64)
    for j in range(units):
        col = indx[:, j]
        for k in range(n_weights):
            pos = np.nonzero(col == k)[0] + 1  # +1 shift; 0 points at the zero-pad column
            out[j, k, :pos.shape[0]] = pos
    return out


def setup_inputs(seed: int = 0) -> dict:
    key = jax.random.key(seed)
    k1, k2 = jax.random.split(key)
    inputs = jax.random.normal(k1, (BATCH, INPUT_DIM), dtype=jnp.float32)
    w = jax.random.normal(k2, (N_WEIGHTS,), dtype=jnp.float32) * 0.05
    b = jnp.zeros((UNITS,), dtype=jnp.float32)
    indices = jnp.asarray(_build_hash_indices(INPUT_DIM, UNITS, N_WEIGHTS, 2))
    return {"inputs": inputs, "w": w, "b": b, "indices": indices}


def reference(inputs, w, b, indices):
    # pad a zero column at the front so padded index 0 gathers 0.0
    inputs_cat = jnp.pad(inputs, ((0, 0), (1, 0)))
    # gather: [B, units, n_weights, max_count]
    gathered = jnp.take(inputs_cat, indices, axis=1)
    # intra-partition sum: [B, units, n_weights]
    reduced = jnp.sum(gathered, axis=-1)
    # contract with the n_weights shared weights: [B, units]
    res_p = jnp.tensordot(reduced, w, axes=[[-1], [0]])
    return res_p + b

if __name__ == "__main__":
    import jax
    _d = setup_inputs()
    print(jax.jit(kernel)(*tuple(_d.values())))

</pallas_src>

<mosaic_0001>
#map = affine_map<(d0, d1) -> (0, 0, 0)>
#map1 = affine_map<(d0, d1) -> (0)>
#map2 = affine_map<(d0, d1) -> (0, 0)>
module attributes {stable_mosaic.version = 14 : i64} {
  func.func @build(%arg0: i32, %arg1: i32, %arg2: memref<256x8x54xi32, #tpu.memory_space<hbm>>, %arg3: memref<8xf32, #tpu.memory_space<hbm>>, %arg4: memref<256x256xf32, #tpu.memory_space<hbm>>, %arg5: memref<8x8x54xi32, #tpu.memory_space<vmem>>, %arg6: memref<16xf32, #tpu.memory_space<vmem>>, %arg7: memref<2048xf32, #tpu.memory_space<vmem>>, %arg8: memref<!tpu.dma_semaphore, #tpu.memory_space<semaphore_mem>>) attributes {dimension_semantics = [#tpu.dimension_semantics<core_parallel>, #tpu.dimension_semantics<subcore_parallel>], iteration_bounds = array<i64: 2, 16>, scalar_prefetch = 0 : i64, scratch_operands = 4 : i64, tpu.core_type = #tpu.core_type<sc_vector_subcore>, window_params = [{transform_indices = #map}, {transform_indices = #map1}, {transform_indices = #map2}]} {
    %mul3A = arith.constant 2 : i32
    %mul3A_0 = arith.muli %arg1, %mul3A : i32
    %add3A = arith.addi %mul3A_0, %arg0 : i32
    %mul3A_1 = arith.constant 8 : i32
    %mul3A_2 = arith.muli %add3A, %mul3A_1 : i32
    %dma_start3A = arith.constant 0 : i32
    %dma_start3A_3 = arith.constant 0 : i32
    %dma_start3A_4 = tpu.memref_slice %arg2[%mul3A_2, %dma_start3A, %dma_start3A_3] : memref<256x8x54xi32, #tpu.memory_space<hbm>> -> memref<8x8x54xi32, #tpu.memory_space<hbm>>
    %dma_start3A_5 = arith.constant 0 : i32
    %dma_start3A_6 = arith.constant 0 : i32
    %dma_start3A_7 = tpu.memref_slice %arg2[%mul3A_2, %dma_start3A_5, %dma_start3A_6] : memref<256x8x54xi32, #tpu.memory_space<hbm>> -> memref<8x8x54xi32, #tpu.memory_space<hbm>>
    tpu.enqueue_dma source(%dma_start3A_7 : memref<8x8x54xi32, #tpu.memory_space<hbm>>) target(%arg5 : memref<8x8x54xi32, #tpu.memory_space<vmem>>) target_semaphore(%arg8 : memref<!tpu.dma_semaphore, #tpu.memory_space<semaphore_mem>>)
    "tpu.region"() ({
      %run_scoped3A = tpu.sem_alloc : memref<!tpu.dma_semaphore, #tpu.memory_space<semaphore_mem>>
      %dma_start3A_195 = arith.constant 0 : i32
      %dma_start3A_196 = tpu.memref_slice %arg6[%dma_start3A_195] : memref<16xf32, #tpu.memory_space<vmem>> -> memref<8xf32, #tpu.memory_space<vmem>>
      %dma_start3A_197 = arith.constant 0 : i32
      %dma_start3A_198 = tpu.memref_slice %arg6[%dma_start3A_197] : memref<16xf32, #tpu.memory_space<vmem>> -> memref<8xf32, #tpu.memory_space<vmem>>
      tpu.enqueue_dma source(%arg3 : memref<8xf32, #tpu.memory_space<hbm>>) target(%dma_start3A_198 : memref<8xf32, #tpu.memory_space<vmem>>) target_semaphore(%run_scoped3A : memref<!tpu.dma_semaphore, #tpu.memory_space<semaphore_mem>>)
      %dma_wait3A_199 = arith.constant 0 : i32
      %dma_wait3A_200 = tpu.memref_slice %arg6[%dma_wait3A_199] : memref<16xf32, #tpu.memory_space<vmem>> -> memref<8xf32, #tpu.memory_space<vmem>>
      %dma_wait3A_201 = arith.constant 0 : i32
      %dma_wait3A_202 = tpu.memref_slice %arg6[%dma_wait3A_201] : memref<16xf32, #tpu.memory_space<vmem>> -> memref<8xf32, #tpu.memory_space<vmem>>
      tpu.wait_dma2 semaphore(%run_scoped3A : memref<!tpu.dma_semaphore, #tpu.memory_space<semaphore_mem>>) src(%arg3 : memref<8xf32, #tpu.memory_space<hbm>>) dst(%dma_wait3A_202 : memref<8xf32, #tpu.memory_space<vmem>>)
      tpu.yield
    }) : () -> ()
    %parallel_loop3A = arith.constant 0 : i32
    %parallel_loop3A_8 = arith.constant 128 : i32
    %parallel_loop3A_9 = arith.constant 1 : i32
    scf.for %parallel_loop3A_195 = %parallel_loop3A to %parallel_loop3A_8 step %parallel_loop3A_9  : i32 {
      %parallel_loop3A_196 = arith.constant 0.000000e+00 : f32
      %parallel_loop3A_197 = vector.broadcast %parallel_loop3A_196 : f32 to vector<16xf32>
      %parallel_loop3A_198 = arith.constant 16 : i32
      %parallel_loop3A_199 = arith.muli %parallel_loop3A_195, %parallel_loop3A_198 : i32
      %parallel_loop3A_200 = arith.index_cast %parallel_loop3A_199 : i32 to index
      %parallel_loop3A_201 = tpu.vector_load %arg7[%parallel_loop3A_200] {strides = array<i32>} : memref<2048xf32, #tpu.memory_space<vmem>>, vector<16xf32>,
      tpu.vector_store %arg7[%parallel_loop3A_200], %parallel_loop3A_197 {strides = array<i32>} : memref<2048xf32, #tpu.memory_space<vmem>>, vector<16xf32>,
    } {sc.loop_unroll_factor = 8 : i64, sc.parallel_access}
    %dma_wait3A = arith.constant 0 : i32
    %dma_wait3A_10 = arith.constant 0 : i32
    %dma_wait3A_11 = tpu.memref_slice %arg2[%mul3A_2, %dma_wait3A, %dma_wait3A_10] : memref<256x8x54xi32, #tpu.memory_space<hbm>> -> memref<8x8x54xi32, #tpu.memory_space<hbm>>
    %dma_wait3A_12 = arith.constant 0 : i32
    %dma_wait3A_13 = arith.constant 0 : i32
    %dma_wait3A_14 = tpu.memref_slice %arg2[%mul3A_2, %dma_wait3A_12, %dma_wait3A_13] : memref<256x8x54xi32, #tpu.memory_space<hbm>> -> memref<8x8x54xi32, #tpu.memory_space<hbm>>
    tpu.wait_dma2 semaphore(%arg8 : memref<!tpu.dma_semaphore, #tpu.memory_space<semaphore_mem>>) src(%dma_wait3A_14 : memref<8x8x54xi32, #tpu.memory_space<hbm>>) dst(%arg5 : memref<8x8x54xi32, #tpu.memory_space<vmem>>)
    %get3A = arith.constant 0 : index
    %get3A_15 = tpu.vector_load %arg6[%get3A] {strides = array<i32>} : memref<16xf32, #tpu.memory_space<vmem>>, vector<16xf32>,
    %parallel_loop3A_16 = arith.constant 0 : i32
    %parallel_loop3A_17 = arith.constant 256 : i32
    %parallel_loop3A_18 = arith.constant 1 : i32
    scf.for %parallel_loop3A_195 = %parallel_loop3A_16 to %parallel_loop3A_17 step %parallel_loop3A_18  : i32 {
      %parallel_loop3A_196 = arith.constant 4 : i32
      %parallel_loop3A_197 = arith.remsi %parallel_loop3A_195, %parallel_loop3A_196 : i32
      %parallel_loop3A_198 = arith.constant 4 : i32
      %parallel_loop3A_199 = arith.divsi %parallel_loop3A_195, %parallel_loop3A_198 : i32
      %parallel_loop3A_200 = arith.constant 8 : i32
      %parallel_loop3A_201 = arith.remsi %parallel_loop3A_199, %parallel_loop3A_200 : i32
      %parallel_loop3A_202 = arith.constant 8 : i32
      %parallel_loop3A_203 = arith.divsi %parallel_loop3A_199, %parallel_loop3A_202 : i32
      %parallel_loop3A_204 = arith.constant 16 : i32
      %parallel_loop3A_205 = arith.muli %parallel_loop3A_197, %parallel_loop3A_204 : i32
      %parallel_loop3A_206 = arith.constant 38 : i32
      %parallel_loop3A_207 = arith.minsi %parallel_loop3A_205, %parallel_loop3A_206 : i32
      %parallel_loop3A_208 = arith.index_cast %parallel_loop3A_203 : i32 to index
      %parallel_loop3A_209 = arith.index_cast %parallel_loop3A_201 : i32 to index
      %parallel_loop3A_210 = arith.index_cast %parallel_loop3A_207 : i32 to index
      %parallel_loop3A_211 = tpu.vector_load %arg5[%parallel_loop3A_208, %parallel_loop3A_209, %parallel_loop3A_210] {strides = array<i32>} : memref<8x8x54xi32, #tpu.memory_space<vmem>>, vector<16xi32>,
      %parallel_loop3A_212 = vector.broadcast %parallel_loop3A_201 : i32 to vector<16xi32>
      %parallel_loop3A_213 = vector.shape_cast %parallel_loop3A_212 : vector<16xi32> to vector<16x1xi32>
      %parallel_loop3A_214 = vector.shape_cast %parallel_loop3A_213 : vector<16x1xi32> to vector<16xi32>
      %parallel_loop3A_215 = tpu.dynamic_gather %get3A_15[%parallel_loop3A_214] in [0] : vector<16xf32>, vector<16xi32> -> vector<16xf32>
      %parallel_loop3A_216 = arith.constant 0 : i32
      %parallel_loop3A_217 = vector.broadcast %parallel_loop3A_216 : i32 to vector<16xi32>
      %parallel_loop3A_218 = arith.cmpi sgt, %parallel_loop3A_211, %parallel_loop3A_217 : vector<16xi32>
      %parallel_loop3A_219 = arith.constant 256 : i32
      %parallel_loop3A_220 = arith.muli %parallel_loop3A_203, %parallel_loop3A_219 : i32
      %parallel_loop3A_221 = arith.constant 1 : i32
      %parallel_loop3A_222 = arith.subi %parallel_loop3A_220, %parallel_loop3A_221 : i32
      %parallel_loop3A_223 = vector.broadcast %parallel_loop3A_222 : i32 to vector<16xi32>
      %parallel_loop3A_224 = arith.addi %parallel_loop3A_211, %parallel_loop3A_223 : vector<16xi32>
      tpu.vector_store_idx %arg7[%parallel_loop3A_224], %parallel_loop3A_215 masked %parallel_loop3A_218 : memref<2048xf32, #tpu.memory_space<vmem>>[vector<16xi32>], vector<16xf32>, vector<16xi1>
    } {sc.loop_unroll_factor = 4 : i64, sc.parallel_access}
    %add3A_19 = arith.constant 0 : i32
    %add3A_20 = arith.addi %mul3A_2, %add3A_19 : i32
    %add3A_21 = arith.constant 1 : i32
    %add3A_22 = arith.addi %mul3A_2, %add3A_21 : i32
    %add3A_23 = arith.constant 2 : i32
    %add3A_24 = arith.addi %mul3A_2, %add3A_23 : i32
    %add3A_25 = arith.constant 3 : i32
    %add3A_26 = arith.addi %mul3A_2, %add3A_25 : i32
    %add3A_27 = arith.constant 4 : i32
    %add3A_28 = arith.addi %mul3A_2, %add3A_27 : i32
    %add3A_29 = arith.constant 5 : i32
    %add3A_30 = arith.addi %mul3A_2, %add3A_29 : i32
    %add3A_31 = arith.constant 6 : i32
    %add3A_32 = arith.addi %mul3A_2, %add3A_31 : i32
    %add3A_33 = arith.constant 7 : i32
    %add3A_34 = arith.addi %mul3A_2, %add3A_33 : i32
    %dma_start3A_35 = arith.constant 0 : i32
    %dma_start3A_36 = tpu.memref_slice %arg7[%dma_start3A_35] : memref<2048xf32, #tpu.memory_space<vmem>> -> memref<256xf32, #tpu.memory_space<vmem>>
    %dma_start3A_37 = arith.constant 0 : i32
    %dma_start3A_38 = tpu.memref_slice %arg4[%add3A_20, %dma_start3A_37] : memref<256x256xf32, #tpu.memory_space<hbm>> -> memref<1x256xf32, #tpu.memory_space<hbm>>
    %dma_start3A_39 = tpu.memref_squeeze %dma_start3A_38 : memref<1x256xf32, #tpu.memory_space<hbm>> -> memref<256xf32, #tpu.memory_space<hbm>>
    %dma_start3A_40 = arith.constant 0 : i32
    %dma_start3A_41 = tpu.memref_slice %arg4[%add3A_20, %dma_start3A_40] : memref<256x256xf32, #tpu.memory_space<hbm>> -> memref<1x256xf32, #tpu.memory_space<hbm>>
    %dma_start3A_42 = tpu.memref_squeeze %dma_start3A_41 : memref<1x256xf32, #tpu.memory_space<hbm>> -> memref<256xf32, #tpu.memory_space<hbm>>
    %dma_start3A_43 = arith.constant 0 : i32
    %dma_start3A_44 = tpu.memref_slice %arg7[%dma_start3A_43] : memref<2048xf32, #tpu.memory_space<vmem>> -> memref<256xf32, #tpu.memory_space<vmem>>
    tpu.enqueue_dma source(%dma_start3A_44 : memref<256xf32, #tpu.memory_space<vmem>>) target(%dma_start3A_42 : memref<256xf32, #tpu.memory_space<hbm>>) target_semaphore(%arg8 : memref<!tpu.dma_semaphore, #tpu.memory_space<semaphore_mem>>)
    %dma_start3A_45 = arith.constant 256 : i32
    %dma_start3A_46 = tpu.memref_slice %arg7[%dma_start3A_45] : memref<2048xf32, #tpu.memory_space<vmem>> -> memref<256xf32, #tpu.memory_space<vmem>>
    %dma_start3A_47 = arith.constant 0 : i32
    %dma_start3A_48 = tpu.memref_slice %arg4[%add3A_22, %dma_start3A_47] : memref<256x256xf32, #tpu.memory_space<hbm>> -> memref<1x256xf32, #tpu.memory_space<hbm>>
    %dma_start3A_49 = tpu.memref_squeeze %dma_start3A_48 : memref<1x256xf32, #tpu.memory_space<hbm>> -> memref<256xf32, #tpu.memory_space<hbm>>
    %dma_start3A_50 = arith.constant 0 : i32
    %dma_start3A_51 = tpu.memref_slice %arg4[%add3A_22, %dma_start3A_50] : memref<256x256xf32, #tpu.memory_space<hbm>> -> memref<1x256xf32, #tpu.memory_space<hbm>>
    %dma_start3A_52 = tpu.memref_squeeze %dma_start3A_51 : memref<1x256xf32, #tpu.memory_space<hbm>> -> memref<256xf32, #tpu.memory_space<hbm>>
    %dma_start3A_53 = arith.constant 256 : i32
    %dma_start3A_54 = tpu.memref_slice %arg7[%dma_start3A_53] : memref<2048xf32, #tpu.memory_space<vmem>> -> memref<256xf32, #tpu.memory_space<vmem>>
    tpu.enqueue_dma source(%dma_start3A_54 : memref<256xf32, #tpu.memory_space<vmem>>) target(%dma_start3A_52 : memref<256xf32, #tpu.memory_space<hbm>>) target_semaphore(%arg8 : memref<!tpu.dma_semaphore, #tpu.memory_space<semaphore_mem>>)
    %dma_start3A_55 = arith.constant 512 : i32
    %dma_start3A_56 = tpu.memref_slice %arg7[%dma_start3A_55] : memref<2048xf32, #tpu.memory_space<vmem>> -> memref<256xf32, #tpu.memory_space<vmem>>
    %dma_start3A_57 = arith.constant 0 : i32
    %dma_start3A_58 = tpu.memref_slice %arg4[%add3A_24, %dma_start3A_57] : memref<256x256xf32, #tpu.memory_space<hbm>> -> memref<1x256xf32, #tpu.memory_space<hbm>>
    %dma_start3A_59 = tpu.memref_squeeze %dma_start3A_58 : memref<1x256xf32, #tpu.memory_space<hbm>> -> memref<256xf32, #tpu.memory_space<hbm>>
    %dma_start3A_60 = arith.constant 0 : i32
    %dma_start3A_61 = tpu.memref_slice %arg4[%add3A_24, %dma_start3A_60] : memref<256x256xf32, #tpu.memory_space<hbm>> -> memref<1x256xf32, #tpu.memory_space<hbm>>
    %dma_start3A_62 = tpu.memref_squeeze %dma_start3A_61 : memref<1x256xf32, #tpu.memory_space<hbm>> -> memref<256xf32, #tpu.memory_space<hbm>>
    %dma_start3A_63 = arith.constant 512 : i32
    %dma_start3A_64 = tpu.memref_slice %arg7[%dma_start3A_63] : memref<2048xf32, #tpu.memory_space<vmem>> -> memref<256xf32, #tpu.memory_space<vmem>>
    tpu.enqueue_dma source(%dma_start3A_64 : memref<256xf32, #tpu.memory_space<vmem>>) target(%dma_start3A_62 : memref<256xf32, #tpu.memory_space<hbm>>) target_semaphore(%arg8 : memref<!tpu.dma_semaphore, #tpu.memory_space<semaphore_mem>>)
    %dma_start3A_65 = arith.constant 768 : i32
    %dma_start3A_66 = tpu.memref_slice %arg7[%dma_start3A_65] : memref<2048xf32, #tpu.memory_space<vmem>> -> memref<256xf32, #tpu.memory_space<vmem>>
    %dma_start3A_67 = arith.constant 0 : i32
    %dma_start3A_68 = tpu.memref_slice %arg4[%add3A_26, %dma_start3A_67] : memref<256x256xf32, #tpu.memory_space<hbm>> -> memref<1x256xf32, #tpu.memory_space<hbm>>
    %dma_start3A_69 = tpu.memref_squeeze %dma_start3A_68 : memref<1x256xf32, #tpu.memory_space<hbm>> -> memref<256xf32, #tpu.memory_space<hbm>>
    %dma_start3A_70 = arith.constant 0 : i32
    %dma_start3A_71 = tpu.memref_slice %arg4[%add3A_26, %dma_start3A_70] : memref<256x256xf32, #tpu.memory_space<hbm>> -> memref<1x256xf32, #tpu.memory_space<hbm>>
    %dma_start3A_72 = tpu.memref_squeeze %dma_start3A_71 : memref<1x256xf32, #tpu.memory_space<hbm>> -> memref<256xf32, #tpu.memory_space<hbm>>
    %dma_start3A_73 = arith.constant 768 : i32
    %dma_start3A_74 = tpu.memref_slice %arg7[%dma_start3A_73] : memref<2048xf32, #tpu.memory_space<vmem>> -> memref<256xf32, #tpu.memory_space<vmem>>
    tpu.enqueue_dma source(%dma_start3A_74 : memref<256xf32, #tpu.memory_space<vmem>>) target(%dma_start3A_72 : memref<256xf32, #tpu.memory_space<hbm>>) target_semaphore(%arg8 : memref<!tpu.dma_semaphore, #tpu.memory_space<semaphore_mem>>)
    %dma_start3A_75 = arith.constant 1024 : i32
    %dma_start3A_76 = tpu.memref_slice %arg7[%dma_start3A_75] : memref<2048xf32, #tpu.memory_space<vmem>> -> memref<256xf32, #tpu.memory_space<vmem>>
    %dma_start3A_77 = arith.constant 0 : i32
    %dma_start3A_78 = tpu.memref_slice %arg4[%add3A_28, %dma_start3A_77] : memref<256x256xf32, #tpu.memory_space<hbm>> -> memref<1x256xf32, #tpu.memory_space<hbm>>
    %dma_start3A_79 = tpu.memref_squeeze %dma_start3A_78 : memref<1x256xf32, #tpu.memory_space<hbm>> -> memref<256xf32, #tpu.memory_space<hbm>>
    %dma_start3A_80 = arith.constant 0 : i32
    %dma_start3A_81 = tpu.memref_slice %arg4[%add3A_28, %dma_start3A_80] : memref<256x256xf32, #tpu.memory_space<hbm>> -> memref<1x256xf32, #tpu.memory_space<hbm>>
    %dma_start3A_82 = tpu.memref_squeeze %dma_start3A_81 : memref<1x256xf32, #tpu.memory_space<hbm>> -> memref<256xf32, #tpu.memory_space<hbm>>
    %dma_start3A_83 = arith.constant 1024 : i32
    %dma_start3A_84 = tpu.memref_slice %arg7[%dma_start3A_83] : memref<2048xf32, #tpu.memory_space<vmem>> -> memref<256xf32, #tpu.memory_space<vmem>>
    tpu.enqueue_dma source(%dma_start3A_84 : memref<256xf32, #tpu.memory_space<vmem>>) target(%dma_start3A_82 : memref<256xf32, #tpu.memory_space<hbm>>) target_semaphore(%arg8 : memref<!tpu.dma_semaphore, #tpu.memory_space<semaphore_mem>>)
    %dma_start3A_85 = arith.constant 1280 : i32
    %dma_start3A_86 = tpu.memref_slice %arg7[%dma_start3A_85] : memref<2048xf32, #tpu.memory_space<vmem>> -> memref<256xf32, #tpu.memory_space<vmem>>
    %dma_start3A_87 = arith.constant 0 : i32
    %dma_start3A_88 = tpu.memref_slice %arg4[%add3A_30, %dma_start3A_87] : memref<256x256xf32, #tpu.memory_space<hbm>> -> memref<1x256xf32, #tpu.memory_space<hbm>>
    %dma_start3A_89 = tpu.memref_squeeze %dma_start3A_88 : memref<1x256xf32, #tpu.memory_space<hbm>> -> memref<256xf32, #tpu.memory_space<hbm>>
    %dma_start3A_90 = arith.constant 0 : i32
    %dma_start3A_91 = tpu.memref_slice %arg4[%add3A_30, %dma_start3A_90] : memref<256x256xf32, #tpu.memory_space<hbm>> -> memref<1x256xf32, #tpu.memory_space<hbm>>
    %dma_start3A_92 = tpu.memref_squeeze %dma_start3A_91 : memref<1x256xf32, #tpu.memory_space<hbm>> -> memref<256xf32, #tpu.memory_space<hbm>>
    %dma_start3A_93 = arith.constant 1280 : i32
    %dma_start3A_94 = tpu.memref_slice %arg7[%dma_start3A_93] : memref<2048xf32, #tpu.memory_space<vmem>> -> memref<256xf32, #tpu.memory_space<vmem>>
    tpu.enqueue_dma source(%dma_start3A_94 : memref<256xf32, #tpu.memory_space<vmem>>) target(%dma_start3A_92 : memref<256xf32, #tpu.memory_space<hbm>>) target_semaphore(%arg8 : memref<!tpu.dma_semaphore, #tpu.memory_space<semaphore_mem>>)
    %dma_start3A_95 = arith.constant 1536 : i32
    %dma_start3A_96 = tpu.memref_slice %arg7[%dma_start3A_95] : memref<2048xf32, #tpu.memory_space<vmem>> -> memref<256xf32, #tpu.memory_space<vmem>>
    %dma_start3A_97 = arith.constant 0 : i32
    %dma_start3A_98 = tpu.memref_slice %arg4[%add3A_32, %dma_start3A_97] : memref<256x256xf32, #tpu.memory_space<hbm>> -> memref<1x256xf32, #tpu.memory_space<hbm>>
    %dma_start3A_99 = tpu.memref_squeeze %dma_start3A_98 : memref<1x256xf32, #tpu.memory_space<hbm>> -> memref<256xf32, #tpu.memory_space<hbm>>
    %dma_start3A_100 = arith.constant 0 : i32
    %dma_start3A_101 = tpu.memref_slice %arg4[%add3A_32, %dma_start3A_100] : memref<256x256xf32, #tpu.memory_space<hbm>> -> memref<1x256xf32, #tpu.memory_space<hbm>>
    %dma_start3A_102 = tpu.memref_squeeze %dma_start3A_101 : memref<1x256xf32, #tpu.memory_space<hbm>> -> memref<256xf32, #tpu.memory_space<hbm>>
    %dma_start3A_103 = arith.constant 1536 : i32
    %dma_start3A_104 = tpu.memref_slice %arg7[%dma_start3A_103] : memref<2048xf32, #tpu.memory_space<vmem>> -> memref<256xf32, #tpu.memory_space<vmem>>
    tpu.enqueue_dma source(%dma_start3A_104 : memref<256xf32, #tpu.memory_space<vmem>>) target(%dma_start3A_102 : memref<256xf32, #tpu.memory_space<hbm>>) target_semaphore(%arg8 : memref<!tpu.dma_semaphore, #tpu.memory_space<semaphore_mem>>)
    %dma_start3A_105 = arith.constant 1792 : i32
    %dma_start3A_106 = tpu.memref_slice %arg7[%dma_start3A_105] : memref<2048xf32, #tpu.memory_space<vmem>> -> memref<256xf32, #tpu.memory_space<vmem>>
    %dma_start3A_107 = arith.constant 0 : i32
    %dma_start3A_108 = tpu.memref_slice %arg4[%add3A_34, %dma_start3A_107] : memref<256x256xf32, #tpu.memory_space<hbm>> -> memref<1x256xf32, #tpu.memory_space<hbm>>
    %dma_start3A_109 = tpu.memref_squeeze %dma_start3A_108 : memref<1x256xf32, #tpu.memory_space<hbm>> -> memref<256xf32, #tpu.memory_space<hbm>>
    %dma_start3A_110 = arith.constant 0 : i32
    %dma_start3A_111 = tpu.memref_slice %arg4[%add3A_34, %dma_start3A_110] : memref<256x256xf32, #tpu.memory_space<hbm>> -> memref<1x256xf32, #tpu.memory_space<hbm>>
    %dma_start3A_112 = tpu.memref_squeeze %dma_start3A_111 : memref<1x256xf32, #tpu.memory_space<hbm>> -> memref<256xf32, #tpu.memory_space<hbm>>
    %dma_start3A_113 = arith.constant 1792 : i32
    %dma_start3A_114 = tpu.memref_slice %arg7[%dma_start3A_113] : memref<2048xf32, #tpu.memory_space<vmem>> -> memref<256xf32, #tpu.memory_space<vmem>>
    tpu.enqueue_dma source(%dma_start3A_114 : memref<256xf32, #tpu.memory_space<vmem>>) target(%dma_start3A_112 : memref<256xf32, #tpu.memory_space<hbm>>) target_semaphore(%arg8 : memref<!tpu.dma_semaphore, #tpu.memory_space<semaphore_mem>>)
    %dma_wait3A_115 = arith.constant 0 : i32
    %dma_wait3A_116 = tpu.memref_slice %arg7[%dma_wait3A_115] : memref<2048xf32, #tpu.memory_space<vmem>> -> memref<256xf32, #tpu.memory_space<vmem>>
    %dma_wait3A_117 = arith.constant 0 : i32
    %dma_wait3A_118 = tpu.memref_slice %arg4[%add3A_20, %dma_wait3A_117] : memref<256x256xf32, #tpu.memory_space<hbm>> -> memref<1x256xf32, #tpu.memory_space<hbm>>
    %dma_wait3A_119 = tpu.memref_squeeze %dma_wait3A_118 : memref<1x256xf32, #tpu.memory_space<hbm>> -> memref<256xf32, #tpu.memory_space<hbm>>
    %dma_wait3A_120 = arith.constant 0 : i32
    %dma_wait3A_121 = tpu.memref_slice %arg4[%add3A_20, %dma_wait3A_120] : memref<256x256xf32, #tpu.memory_space<hbm>> -> memref<1x256xf32, #tpu.memory_space<hbm>>
    %dma_wait3A_122 = tpu.memref_squeeze %dma_wait3A_121 : memref<1x256xf32, #tpu.memory_space<hbm>> -> memref<256xf32, #tpu.memory_space<hbm>>
    %dma_wait3A_123 = arith.constant 0 : i32
    %dma_wait3A_124 = tpu.memref_slice %arg7[%dma_wait3A_123] : memref<2048xf32, #tpu.memory_space<vmem>> -> memref<256xf32, #tpu.memory_space<vmem>>
    tpu.wait_dma2 semaphore(%arg8 : memref<!tpu.dma_semaphore, #tpu.memory_space<semaphore_mem>>) src(%dma_wait3A_124 : memref<256xf32, #tpu.memory_space<vmem>>) dst(%dma_wait3A_122 : memref<256xf32, #tpu.memory_space<hbm>>)
    %dma_wait3A_125 = arith.constant 256 : i32
    %dma_wait3A_126 = tpu.memref_slice %arg7[%dma_wait3A_125] : memref<2048xf32, #tpu.memory_space<vmem>> -> memref<256xf32, #tpu.memory_space<vmem>>
    %dma_wait3A_127 = arith.constant 0 : i32
    %dma_wait3A_128 = tpu.memref_slice %arg4[%add3A_22, %dma_wait3A_127] : memref<256x256xf32, #tpu.memory_space<hbm>> -> memref<1x256xf32, #tpu.memory_space<hbm>>
    %dma_wait3A_129 = tpu.memref_squeeze %dma_wait3A_128 : memref<1x256xf32, #tpu.memory_space<hbm>> -> memref<256xf32, #tpu.memory_space<hbm>>
    %dma_wait3A_130 = arith.constant 0 : i32
    %dma_wait3A_131 = tpu.memref_slice %arg4[%add3A_22, %dma_wait3A_130] : memref<256x256xf32, #tpu.memory_space<hbm>> -> memref<1x256xf32, #tpu.memory_space<hbm>>
    %dma_wait3A_132 = tpu.memref_squeeze %dma_wait3A_131 : memref<1x256xf32, #tpu.memory_space<hbm>> -> memref<256xf32, #tpu.memory_space<hbm>>
    %dma_wait3A_133 = arith.constant 256 : i32
    %dma_wait3A_134 = tpu.memref_slice %arg7[%dma_wait3A_133] : memref<2048xf32, #tpu.memory_space<vmem>> -> memref<256xf32, #tpu.memory_space<vmem>>
    tpu.wait_dma2 semaphore(%arg8 : memref<!tpu.dma_semaphore, #tpu.memory_space<semaphore_mem>>) src(%dma_wait3A_134 : memref<256xf32, #tpu.memory_space<vmem>>) dst(%dma_wait3A_132 : memref<256xf32, #tpu.memory_space<hbm>>)
    %dma_wait3A_135 = arith.constant 512 : i32
    %dma_wait3A_136 = tpu.memref_slice %arg7[%dma_wait3A_135] : memref<2048xf32, #tpu.memory_space<vmem>> -> memref<256xf32, #tpu.memory_space<vmem>>
    %dma_wait3A_137 = arith.constant 0 : i32
    %dma_wait3A_138 = tpu.memref_slice %arg4[%add3A_24, %dma_wait3A_137] : memref<256x256xf32, #tpu.memory_space<hbm>> -> memref<1x256xf32, #tpu.memory_space<hbm>>
    %dma_wait3A_139 = tpu.memref_squeeze %dma_wait3A_138 : memref<1x256xf32, #tpu.memory_space<hbm>> -> memref<256xf32, #tpu.memory_space<hbm>>
    %dma_wait3A_140 = arith.constant 0 : i32
    %dma_wait3A_141 = tpu.memref_slice %arg4[%add3A_24, %dma_wait3A_140] : memref<256x256xf32, #tpu.memory_space<hbm>> -> memref<1x256xf32, #tpu.memory_space<hbm>>
    %dma_wait3A_142 = tpu.memref_squeeze %dma_wait3A_141 : memref<1x256xf32, #tpu.memory_space<hbm>> -> memref<256xf32, #tpu.memory_space<hbm>>
    %dma_wait3A_143 = arith.constant 512 : i32
    %dma_wait3A_144 = tpu.memref_slice %arg7[%dma_wait3A_143] : memref<2048xf32, #tpu.memory_space<vmem>> -> memref<256xf32, #tpu.memory_space<vmem>>
    tpu.wait_dma2 semaphore(%arg8 : memref<!tpu.dma_semaphore, #tpu.memory_space<semaphore_mem>>) src(%dma_wait3A_144 : memref<256xf32, #tpu.memory_space<vmem>>) dst(%dma_wait3A_142 : memref<256xf32, #tpu.memory_space<hbm>>)
    %dma_wait3A_145 = arith.constant 768 : i32
    %dma_wait3A_146 = tpu.memref_slice %arg7[%dma_wait3A_145] : memref<2048xf32, #tpu.memory_space<vmem>> -> memref<256xf32, #tpu.memory_space<vmem>>
    %dma_wait3A_147 = arith.constant 0 : i32
    %dma_wait3A_148 = tpu.memref_slice %arg4[%add3A_26, %dma_wait3A_147] : memref<256x256xf32, #tpu.memory_space<hbm>> -> memref<1x256xf32, #tpu.memory_space<hbm>>
    %dma_wait3A_149 = tpu.memref_squeeze %dma_wait3A_148 : memref<1x256xf32, #tpu.memory_space<hbm>> -> memref<256xf32, #tpu.memory_space<hbm>>
    %dma_wait3A_150 = arith.constant 0 : i32
    %dma_wait3A_151 = tpu.memref_slice %arg4[%add3A_26, %dma_wait3A_150] : memref<256x256xf32, #tpu.memory_space<hbm>> -> memref<1x256xf32, #tpu.memory_space<hbm>>
    %dma_wait3A_152 = tpu.memref_squeeze %dma_wait3A_151 : memref<1x256xf32, #tpu.memory_space<hbm>> -> memref<256xf32, #tpu.memory_space<hbm>>
    %dma_wait3A_153 = arith.constant 768 : i32
    %dma_wait3A_154 = tpu.memref_slice %arg7[%dma_wait3A_153] : memref<2048xf32, #tpu.memory_space<vmem>> -> memref<256xf32, #tpu.memory_space<vmem>>
    tpu.wait_dma2 semaphore(%arg8 : memref<!tpu.dma_semaphore, #tpu.memory_space<semaphore_mem>>) src(%dma_wait3A_154 : memref<256xf32, #tpu.memory_space<vmem>>) dst(%dma_wait3A_152 : memref<256xf32, #tpu.memory_space<hbm>>)
    %dma_wait3A_155 = arith.constant 1024 : i32
    %dma_wait3A_156 = tpu.memref_slice %arg7[%dma_wait3A_155] : memref<2048xf32, #tpu.memory_space<vmem>> -> memref<256xf32, #tpu.memory_space<vmem>>
    %dma_wait3A_157 = arith.constant 0 : i32
    %dma_wait3A_158 = tpu.memref_slice %arg4[%add3A_28, %dma_wait3A_157] : memref<256x256xf32, #tpu.memory_space<hbm>> -> memref<1x256xf32, #tpu.memory_space<hbm>>
    %dma_wait3A_159 = tpu.memref_squeeze %dma_wait3A_158 : memref<1x256xf32, #tpu.memory_space<hbm>> -> memref<256xf32, #tpu.memory_space<hbm>>
    %dma_wait3A_160 = arith.constant 0 : i32
    %dma_wait3A_161 = tpu.memref_slice %arg4[%add3A_28, %dma_wait3A_160] : memref<256x256xf32, #tpu.memory_space<hbm>> -> memref<1x256xf32, #tpu.memory_space<hbm>>
    %dma_wait3A_162 = tpu.memref_squeeze %dma_wait3A_161 : memref<1x256xf32, #tpu.memory_space<hbm>> -> memref<256xf32, #tpu.memory_space<hbm>>
    %dma_wait3A_163 = arith.constant 1024 : i32
    %dma_wait3A_164 = tpu.memref_slice %arg7[%dma_wait3A_163] : memref<2048xf32, #tpu.memory_space<vmem>> -> memref<256xf32, #tpu.memory_space<vmem>>
    tpu.wait_dma2 semaphore(%arg8 : memref<!tpu.dma_semaphore, #tpu.memory_space<semaphore_mem>>) src(%dma_wait3A_164 : memref<256xf32, #tpu.memory_space<vmem>>) dst(%dma_wait3A_162 : memref<256xf32, #tpu.memory_space<hbm>>)
    %dma_wait3A_165 = arith.constant 1280 : i32
    %dma_wait3A_166 = tpu.memref_slice %arg7[%dma_wait3A_165] : memref<2048xf32, #tpu.memory_space<vmem>> -> memref<256xf32, #tpu.memory_space<vmem>>
    %dma_wait3A_167 = arith.constant 0 : i32
    %dma_wait3A_168 = tpu.memref_slice %arg4[%add3A_30, %dma_wait3A_167] : memref<256x256xf32, #tpu.memory_space<hbm>> -> memref<1x256xf32, #tpu.memory_space<hbm>>
    %dma_wait3A_169 = tpu.memref_squeeze %dma_wait3A_168 : memref<1x256xf32, #tpu.memory_space<hbm>> -> memref<256xf32, #tpu.memory_space<hbm>>
    %dma_wait3A_170 = arith.constant 0 : i32
    %dma_wait3A_171 = tpu.memref_slice %arg4[%add3A_30, %dma_wait3A_170] : memref<256x256xf32, #tpu.memory_space<hbm>> -> memref<1x256xf32, #tpu.memory_space<hbm>>
    %dma_wait3A_172 = tpu.memref_squeeze %dma_wait3A_171 : memref<1x256xf32, #tpu.memory_space<hbm>> -> memref<256xf32, #tpu.memory_space<hbm>>
    %dma_wait3A_173 = arith.constant 1280 : i32
    %dma_wait3A_174 = tpu.memref_slice %arg7[%dma_wait3A_173] : memref<2048xf32, #tpu.memory_space<vmem>> -> memref<256xf32, #tpu.memory_space<vmem>>
    tpu.wait_dma2 semaphore(%arg8 : memref<!tpu.dma_semaphore, #tpu.memory_space<semaphore_mem>>) src(%dma_wait3A_174 : memref<256xf32, #tpu.memory_space<vmem>>) dst(%dma_wait3A_172 : memref<256xf32, #tpu.memory_space<hbm>>)
    %dma_wait3A_175 = arith.constant 1536 : i32
    %dma_wait3A_176 = tpu.memref_slice %arg7[%dma_wait3A_175] : memref<2048xf32, #tpu.memory_space<vmem>> -> memref<256xf32, #tpu.memory_space<vmem>>
    %dma_wait3A_177 = arith.constant 0 : i32
    %dma_wait3A_178 = tpu.memref_slice %arg4[%add3A_32, %dma_wait3A_177] : memref<256x256xf32, #tpu.memory_space<hbm>> -> memref<1x256xf32, #tpu.memory_space<hbm>>
    %dma_wait3A_179 = tpu.memref_squeeze %dma_wait3A_178 : memref<1x256xf32, #tpu.memory_space<hbm>> -> memref<256xf32, #tpu.memory_space<hbm>>
    %dma_wait3A_180 = arith.constant 0 : i32
    %dma_wait3A_181 = tpu.memref_slice %arg4[%add3A_32, %dma_wait3A_180] : memref<256x256xf32, #tpu.memory_space<hbm>> -> memref<1x256xf32, #tpu.memory_space<hbm>>
    %dma_wait3A_182 = tpu.memref_squeeze %dma_wait3A_181 : memref<1x256xf32, #tpu.memory_space<hbm>> -> memref<256xf32, #tpu.memory_space<hbm>>
    %dma_wait3A_183 = arith.constant 1536 : i32
    %dma_wait3A_184 = tpu.memref_slice %arg7[%dma_wait3A_183] : memref<2048xf32, #tpu.memory_space<vmem>> -> memref<256xf32, #tpu.memory_space<vmem>>
    tpu.wait_dma2 semaphore(%arg8 : memref<!tpu.dma_semaphore, #tpu.memory_space<semaphore_mem>>) src(%dma_wait3A_184 : memref<256xf32, #tpu.memory_space<vmem>>) dst(%dma_wait3A_182 : memref<256xf32, #tpu.memory_space<hbm>>)
    %dma_wait3A_185 = arith.constant 1792 : i32
    %dma_wait3A_186 = tpu.memref_slice %arg7[%dma_wait3A_185] : memref<2048xf32, #tpu.memory_space<vmem>> -> memref<256xf32, #tpu.memory_space<vmem>>
    %dma_wait3A_187 = arith.constant 0 : i32
    %dma_wait3A_188 = tpu.memref_slice %arg4[%add3A_34, %dma_wait3A_187] : memref<256x256xf32, #tpu.memory_space<hbm>> -> memref<1x256xf32, #tpu.memory_space<hbm>>
    %dma_wait3A_189 = tpu.memref_squeeze %dma_wait3A_188 : memref<1x256xf32, #tpu.memory_space<hbm>> -> memref<256xf32, #tpu.memory_space<hbm>>
    %dma_wait3A_190 = arith.constant 0 : i32
    %dma_wait3A_191 = tpu.memref_slice %arg4[%add3A_34, %dma_wait3A_190] : memref<256x256xf32, #tpu.memory_space<hbm>> -> memref<1x256xf32, #tpu.memory_space<hbm>>
    %dma_wait3A_192 = tpu.memref_squeeze %dma_wait3A_191 : memref<1x256xf32, #tpu.memory_space<hbm>> -> memref<256xf32, #tpu.memory_space<hbm>>
    %dma_wait3A_193 = arith.constant 1792 : i32
    %dma_wait3A_194 = tpu.memref_slice %arg7[%dma_wait3A_193] : memref<2048xf32, #tpu.memory_space<vmem>> -> memref<256xf32, #tpu.memory_space<vmem>>
    tpu.wait_dma2 semaphore(%arg8 : memref<!tpu.dma_semaphore, #tpu.memory_space<semaphore_mem>>) src(%dma_wait3A_194 : memref<256xf32, #tpu.memory_space<vmem>>) dst(%dma_wait3A_192 : memref<256xf32, #tpu.memory_space<hbm>>)
    return
  }
}

module attributes {stable_mosaic.version = 14 : i64} {
  func.func @body(%arg0: memref<1024x256xf32, #tpu.memory_space<vmem>>, %arg1: memref<256x256xf32, #tpu.memory_space<vmem>>, %arg2: memref<1x256xf32, #tpu.memory_space<vmem>>, %arg3: memref<1024x256xf32, #tpu.memory_space<vmem>>) attributes {dimension_semantics = [], scalar_prefetch = 0 : i64, scratch_operands = 0 : i64, tpu.core_type = #tpu.core_type<tc>} {
    %get3A = arith.constant 0 : index
    %get3A_0 = arith.constant 0 : index
    %get3A_1 = vector.load %arg0[%get3A, %get3A_0] : memref<1024x256xf32, #tpu.memory_space<vmem>>, vector<1024x256xf32>
    %get3A_2 = arith.constant 0 : index
    %get3A_3 = arith.constant 0 : index
    %get3A_4 = vector.load %arg1[%get3A_2, %get3A_3] : memref<256x256xf32, #tpu.memory_space<vmem>>, vector<256x256xf32>
    %dot_general3A = arith.constant dense<0.000000e+00> : vector<1024x256xf32>
    %dot_general3A_5 = tpu.matmul %get3A_1, %get3A_4, %dot_general3A {dimension_numbers = #tpu.dot_dimension_numbers<[1], [1], [0], [0], [0, 0, 1, 0], [], []>, transpose_lhs_hint = false} : vector<1024x256xf32>, vector<256x256xf32>, vector<1024x256xf32> -> vector<1024x256xf32>
    %get3A_6 = arith.constant 0 : index
    %get3A_7 = arith.constant 0 : index
    %get3A_8 = vector.load %arg2[%get3A_6, %get3A_7] : memref<1x256xf32, #tpu.memory_space<vmem>>, vector<1x256xf32>
    %add3A = vector.broadcast %get3A_8 : vector<1x256xf32> to vector<1024x256xf32>
    %add3A_9 = arith.addf %dot_general3A_5, %add3A : vector<1024x256xf32>
    %swap3A = arith.constant 0 : index
    %swap3A_10 = arith.constant 0 : index
    %swap3A_11 = vector.load %arg3[%swap3A, %swap3A_10] : memref<1024x256xf32, #tpu.memory_space<vmem>>, vector<1024x256xf32>
    tpu.vector_store %arg3[%swap3A, %swap3A_10], %add3A_9 {strides = array<i32>} : memref<1024x256xf32, #tpu.memory_space<vmem>>, vector<1024x256xf32>,
    return
  }
}

</mosaic_0001>

<sc_bundles>
// kernel: kernel.4.cloned.1.call-start
scs
__scs_entry_jumppad:
0x0: {  	(pc) =	sbr.rel $0x88, $3  }
0x1: {  	(tag) =	ssettag $0x0;
	lr =	simm.s32 $0x1  }
0x2: {  	[smem:$0x3F9D] =	sst lr;
	_ =	strace $0xD0000000  }
0x3: {  	_ = 	snop  }
0x4: {  	_ = 	snop  }
0x5: {  	_ = 	snop  }
0x6: {  	_ = 	snop  }
0x7: {  	_ = 	snop  }
__scs_overlays_trampoline_lowered:
0x8: {  	[smem:$0x3FAC] =	sst s0  }
0x9: {  	[smem:$0x3FAD] =	sst s1  }
0xa: {  	[smem:$0x3FAE] =	sst s2  }
0xb: {  	[smem:$0x3FAF] =	sst s3  }
0xc: {  	[smem:$0x3FB0] =	sst s4  }
0xd: {  	[smem:$0x3FB1] =	sst s5  }
0xe: {  	[smem:$0x3FB2] =	sst s6  }
0xf: {  	[smem:$0x3FB3] =	sst s7  }
0x10: {  	[smem:$0x3FB4] =	sst s8  }
0x11: {  	[smem:$0x3FB5] =	sst s9;
	s0 =	simm.s32 @!p0 $0x0  }
0x12: {  	s1 =	sld [smem:$0x3F9B];
	s0 =	simm.s32 @p0 $0x1  }
0x13: {  	[smem:$0x3FB6] =	sst s0;
	s0 =	simm.s32 @!p1 $0x0  }
0x14: {  	s2 =	sld [smem:$0x3F9A];
	s0 =	simm.s32 @p1 $0x1  }
0x15: {  	[smem:$0x3FB7] =	sst s0;
	s0 =	simm.s32 @!p2 $0x0  }
0x16: {  	s3 =	sld [smem:$0x3FDB];
	s0 =	simm.s32 @p2 $0x1  }
0x17: {  	s4 =	simm.s32 $0x1BF5;
	[smem:$0x3FB9] =	sst s0  }
0x18: {  	s0 =	sld [smem:$0x3F9C];
	_ =	swait.ge [sflag:s4], $0x0  }
0x19: {  	s7 =	sld [smem:$0x3F9D]  }
0x1a: {  	s8 =	sadd.s32 $0xFFFFE003, lr  }
0x1b: {  	s9 =	sadd.s32 $0xFFFFFEF7, lr;
	s5 =	simm.s32 $0xFFFFFFFF;
	p2 =	slt.u32 s8, $0xFFFFF086  }
0x1c: {  	p1 =	slt.u32 s9, $0xF7A;
	s5 =	simm.s32 @!p2 $0x0  }
0x1d: {  	s5 =	simm.s32 @p1 $0x1;
	p0 =	seq.s32 s7, s2  }
0x1e: {  	s7 =	smul.u32 @!p0 $0xF7A, s2;
	p2 =	seq.s32 @!p0 s5, $0x0  }
0x1f: {  	s9 =	smul.u32 $0xF7A, s1;
	s8 =	simm.s32 @!p0 $0x1BF5;
	p2 =	por !p2, p0  }
0x20: {  	[sflag:s8] =	ssyncset.s32 @!p0 $0xFFFFF086;
	s6 =	sadd.s32 @!p0 s3, s7;
	s7 =	simm.s32 @!p0 $0x108  }
0x21: {  	s3 =	sadd.s32 s3, s9;
	s6 =	sadd.s32 @!p0 $0x88, s6;
	s7 =	simm.s32 @p2 $0x1082  }
0x22: {  	[simem:s7], [sflag:s8] =	dma.local @!p0 [hbm:s6], $0xF7A  }
0x23: {  	s9 =	sor.u32 $0xD0000000, s2;
	s6 =	simm.s32 $0x108;
	_ =	swait.ge @!p0 [sflag:s8], $0x0  }
0x24: {  	s3 =	sadd.s32 $0x88, s3;
	s6 =	simm.s32 @!p1 $0x1082;
	[sflag:s4] =	ssyncset.s32 $0xFFFFF086  }
0x25: {  	[simem:s6], [sflag:s4] =	dma.local [hbm:s3], $0xF7A  }
0x26: {  	[smem:$0x3F9D] =	sst s1;
	(tag) =	ssettag s2;
	_ =	strace s9  }
0x27: {  	s1 =	sld [smem:$0x3FAD]  }
0x28: {  	s2 =	sld [smem:$0x3FAE]  }
0x29: {  	s4 =	sld [smem:$0x3FB0]  }
0x2a: {  	p0 =	seq.s32 s5, $0x0;
	s5 =	sld [smem:$0x3FB1]  }
0x2b: {  	s6 =	sld [smem:$0x3FB2]  }
0x2c: {  	s7 =	sld [smem:$0x3FB3]  }
0x2d: {  	s3 =	simm.s32 $0x108;
	s8 =	sld [smem:$0x3FB4]  }
0x2e: {  	s3 =	simm.s32 @!p0 $0x1082;
	s9 =	sld [smem:$0x3FB5]  }
0x2f: {  	lr =	sadd.s32 s0, s3;
	s0 =	sld [smem:$0x3FAC]  }
0x30: {  	s3 =	sld [smem:$0x3FAF]  }
0x31: {  	[smem:$0x3FB8] =	sst s10  }
0x32: {  	s10 =	sld [smem:$0x3FB6];
	_ =	sdelay $0x3  }
0x33: {  	p0 =	seq.s32 s10, $0x1;
	s10 =	sld [smem:$0x3FB8];
	_ =	sdelay $0x3  }
0x34: {  	[smem:$0x3FB8] =	sst s10  }
0x35: {  	s10 =	sld [smem:$0x3FB7];
	_ =	sdelay $0x3  }
0x36: {  	p1 =	seq.s32 s10, $0x1;
	s10 =	sld [smem:$0x3FB8];
	_ =	sdelay $0x3  }
0x37: {  	[smem:$0x3FB8] =	sst s10  }
0x38: {  	s10 =	sld [smem:$0x3FB9]  }
0x39: {  	_ = 	snop;
	(pc) =	sbr.ind lr, $3  }
0x3a: {  	_ = 	snop  }
0x3b: {  	_ = 	snop  }
0x3c: {  	p2 =	seq.s32 s10, $0x1;
	s10 =	sld [smem:$0x3FB8]  }
0x3d: {  	_ =	shalt  }
0x3e: {  	_ =	shalt  }
0x3f: {  	_ =	shalt  }
0x40: {  	_ =	shalt  }
0x41: {  	_ =	shalt  }
0x42: {  	_ =	shalt  }
0x43: {  	_ =	shalt  }
0x44: {  	_ =	shalt  }
0x45: {  	_ =	shalt  }
0x46: {  	_ =	shalt  }
0x47: {  	_ =	shalt  }
0x48: {  	_ =	shalt  }
0x49: {  	_ =	shalt  }
0x4a: {  	_ =	shalt  }
0x4b: {  	_ =	shalt  }
0x4c: {  	_ =	shalt  }
0x4d: {  	_ =	shalt  }
0x4e: {  	_ =	shalt  }
0x4f: {  	_ =	shalt  }
0x50: {  	_ =	shalt  }
0x51: {  	_ =	shalt  }
0x52: {  	_ =	shalt  }
0x53: {  	_ =	shalt  }
0x54: {  	_ =	shalt  }
0x55: {  	_ =	shalt  }
0x56: {  	_ =	shalt  }
0x57: {  	_ =	shalt  }
0x58: {  	_ =	shalt  }
0x59: {  	_ =	shalt  }
0x5a: {  	_ =	shalt  }
0x5b: {  	_ =	shalt  }
0x5c: {  	_ =	shalt  }
0x5d: {  	_ =	shalt  }
0x5e: {  	_ =	shalt  }
0x5f: {  	_ =	shalt  }
0x60: {  	_ =	shalt  }
0x61: {  	_ =	shalt  }
0x62: {  	_ =	shalt  }
0x63: {  	_ =	shalt  }
0x64: {  	_ =	shalt  }
0x65: {  	_ =	shalt  }
0x66: {  	_ =	shalt  }
0x67: {  	_ =	shalt  }
0x68: {  	_ =	shalt  }
0x69: {  	_ =	shalt  }
0x6a: {  	_ =	shalt  }
0x6b: {  	_ =	shalt  }
0x6c: {  	_ =	shalt  }
0x6d: {  	_ =	shalt  }
0x6e: {  	_ =	shalt  }
0x6f: {  	_ =	shalt  }
0x70: {  	_ =	shalt  }
0x71: {  	_ =	shalt  }
0x72: {  	_ =	shalt  }
0x73: {  	_ =	shalt  }
0x74: {  	_ =	shalt  }
0x75: {  	_ =	shalt  }
0x76: {  	_ =	shalt  }
0x77: {  	_ =	shalt  }
0x78: {  	_ =	shalt  }
0x79: {  	_ =	shalt  }
0x7a: {  	_ =	shalt  }
0x7b: {  	_ =	shalt  }
0x7c: {  	_ =	shalt  }
0x7d: {  	_ =	shalt  }
0x7e: {  	_ =	shalt  }
0x7f: {  	_ =	shalt  }
0x80: {  	_ =	shalt  }
0x81: {  	_ =	shalt  }
0x82: {  	_ =	shalt  }
0x83: {  	_ =	shalt  }
0x84: {  	_ =	shalt  }
0x85: {  	_ =	shalt  }
0x86: {  	_ =	shalt  }
0x87: {  	_ =	shalt  }
.Lfunc_end0:
.L_simem_size_0:
called_computation_lowered:
.L_overlay_start_0:
0x88: {  	s2 =	sld [smem:$0x3FD9]  }
0x89: {  	s3 =	sld [smem:$0x3FFE];
	_ =	sdelay $0x1  }
0x8a: {  	s1 =	srdreg.scid  }
0x8b: {  	s0 =	sand.u32 $0x1, s1  }
0x8c: {  	s17 =	sshll.u32 s0, $0xA;
	s2 =	sadd.s32 s3, s2  }
0x8d: {  	s2 =	sadd.s32 s2, s17  }
0x8e: {  	[smem:$0x3FC4] =	sst s2  }
0x8f: {  	_ = 	snop  }
0x90: {  	s2 =	sld [smem:$0x3FC8]  }
0x91: {  	s18 =	sld [smem:$0x3FD0];
	(tm) =	ssettm $0x1  }
0x92: {  	s4 =	sld [smem:$0x3FFB];
	_ =	sdelay $0x3  }
0x93: {  	_ =	strace s4  }
0x94: {  	s4 =	sld [smem:$0x3FFC];
	_ =	sdelay $0x3  }
0x95: {  	_ =	strace s4  }
0x96: {  	s4 =	sld [smem:$0x3FFD];
	_ =	sdelay $0x3  }
0x97: {  	_ =	strace s4  }
0x98: {  	_ =	strace $0x8FFFFFFF  }
0x99: {  	s19 =	sld [smem:$0x3FDB];
	_ =	sdelay $0x1  }
0x9a: {  	s5 =	simm.s32 $_scs_section_size  }
0x9b: {  	s6 =	simm.s32 $_size__tile_overlayer_lowered;
	s7 =	simm.s32 $_tile_overlayer_lowered  }
0x9c: {  	s22 =	simm.s32 $0x1BFF;
	s21 =	sshll.u32 s7, $0x1;
	s4 =	sadd.s32 s5, s19  }
0x9d: {  	s8 =	simm.s32 $0x0;
	s20 =	sshll.u32 s6, $0x1;
	s6 =	sadd.s32 s21, s4  }
0x9e: {  	[timem:s8], [sflag:s22] =	dma.local [hbm:s6], s20  }
0x9f: {  	_ =	swait.ge [sflag:s22], s20  }
0xa0: {  	s5 =	ssub.s32 $0x0, s20;
	[sflag:s22] =	ssyncset.done $0x0  }
0xa1: {  	[sflag:s22] =	ssyncadd.s32 s5;
	_ =	sdelay $0x1  }
0xa2: {  	s23 =	simm.s32 $0x1B8B  }
0xa3: {  	_ =	swait.ge [sflag:s23], $0x1  }
0xa4: {  	[sflag:s23] =	ssyncset.done $0x0  }
0xa5: {  	s25 =	simm.s32 $0x1B8E;
	s24 =	sld [smem:$0x3FFE];
	[sflag:s23] =	ssyncadd.s32 $0xFFFFFFFF  }
0xa6: {  	s26 =	simm.s32 $execute0_lowered;
	[smem:$0x3FD2] =	sst s25  }
0xa7: {  	s6 =	sshll.u32 s26, $0x1;
	_ =	strace $0x80000046;
	[dreg:$0x1] =	wrdreg $0xFFFFFFFF  }
0xa8: {  	s28 =	simm.s32 $_size_execute0_lowered;
	s4 =	sadd.s32 s4, s6;
	[dreg:$0x0] =	wrdreg $0x0  }
0xa9: {  	s6 =	sshll.u32 s28, $0x1;
	[dreg:$0x2] =	wrdreg s4  }
0xaa: {  	[dreg:$0x3] =	wrdreg s6  }
0xab: {  	[dreg:$0x4] =	wrdreg $0xC0  }
0xac: {  	_ =	task [dreg:s8], $0x5FFFF  }
0xad: {  	[dreg:$0x1] =	wrdreg $0xFFFFFFFF  }
0xae: {  	[dreg:$0x0] =	wrdreg $0x60  }
0xaf: {  	[dreg:$0x2] =	wrdreg s18  }
0xb0: {  	[dreg:$0x3] =	wrdreg s2  }
0xb1: {  	[dreg:$0x4] =	wrdreg s24  }
0xb2: {  	[dreg:$0x5] =	wrdreg $0x9  }
0xb3: {  	_ =	task.clear_ibuf [dreg:s8], $0x6FFFF;
	_ =	strace $0x90000046  }
0xb4: {  	s29 =	simm.s32 $0x9;
	_ =	strace $0x80000048  }
0xb5: {  	_ =	swait.ge [sflag:s29], $0x1  }
0xb6: {  	[sflag:s29] =	ssyncadd.s32 $0xFFFFFFFF  }
0xb7: {  	_ =	strace $0x90000048  }
0xb8: {  	_ =	sfence  }
0xb9: {  	s30 =	sld [smem:$0x0];
	_ =	sdelay $0x2  }
0xba: {  	s31 =	sshll.u32 s1, $0xD;
	s1 =	sshrl.u32 s1, $0x2  }
0xbb: {  	s3 =	sand.u32 $0x4000, s31;
	s1 =	sadd.s32 s1, s30  }
0xbc: {  	s0 =	sor.u32 s3, s0;
	s1 =	sshll.u32 s1, $0x11  }
0xbd: {  	s0 =	sor.u32 s1, s0  }
0xbe: {  	s0 =	sadd.s32 $0x8F2B, s0  }
0xbf: {  	[sflag:s0] =	ssyncadd.remote.s32 $0x1  }
0xc0: {  	_ =	sfence.sel $0xFFFF  }
0xc1: {  	[dreg:$0x0] =	wrdreg $0xFFFFFFFF;
	(pc) =	sbr.abs _section_cstart, $3  }
0xc2: {  	[dreg:$0x1] =	wrdreg $0xFFFFFFFF  }
0xc3: {  	_ =	task.clear_ibuf [dreg:s8], $0x2FFFF;
	_ =	strace $0x9FFFFFFF  }
0xc4: {  	(tm) =	ssettm $0x7FFFFFFF  }
0xc5: {  	_ =	shalt  }
tec
execute0_lowered:
.L_overlay_start_1:
0x0: {  	(tag) =	ssettag $0x1  }
0x1: {  	s0 =	rddreg [dreg:$0x0]  }
0x2: {  	s1 =	rddreg [dreg:$0x2]  }
0x3: {  	s3 =	srdreg.scid;
	s2 =	stileid.u32  }
0x4: {  	s15 =	simm.s32 $0x2;
	s16 =	simm.s32 $0x1;
	s17 =	simm.s32 $0x2080  }
0x5: {  	s18 =	simm.s32 $0x80;
	s19 =	simm.s32 $0x400;
	s20 =	simm.s32 $0x2180  }
0x6: {  	s21 =	simm.s32 $0x2280;
	s22 =	simm.s32 $0x2380;
	s23 =	simm.s32 $0x2480  }
0x7: {  	s24 =	simm.s32 $0x2580;
	s25 =	simm.s32 $0x2680;
	s26 =	simm.s32 $0x2780  }
0x8: {  	s28 =	simm.s32 $0x0;
	s4 =	sand.u32 $0x1, s3;
	s3 =	simm.s32 $0x0  }
0x9: {  	s5 =	sshll.u32 s2, $0x4;
	s6 =	sshll.u32 s4, $0x3;
	[smem:$0x7FF] =	sst s3  }
0xa: {  	s4 =	ssub.s32 $0x2, s4;
	s5 =	sor.u32 s6, s5;
	_ =	strace $0x80000047  }
0xb: {  	s7 =	sshrl.u32 s4, $0x1;
	s6 =	sshll.u32 s5, $0x5;
	s31 =	sshll.u32 s5, $0x7  }
0xc: {  	s13 =	ssub.s32 s4, s7;
	s1 =	sadd.s32 s6, s1;
	s4 =	sadd.s32 s0, s31  }
0xd: {  	s13 =	smax.u32 s13, $0x1;
	s5 =	sadd.s32 $0xA00, s1;
	s6 =	sadd.s32 $0xA10, s1  }
0xe: {  	s7 =	sadd.s32 $0xA20, s1;
	s8 =	sadd.s32 $0xA30, s1;
	s9 =	sadd.s32 $0xA40, s1  }
0xf: {  	v0 =	vimm.f32 $0.0e+00;
	s10 =	sadd.s32 $0xA50, s1;
	s11 =	sadd.s32 $0xA60, s1;
	s12 =	sadd.s32 $0xA70, s1  }
.LBB2_1:
0x10: {  	[tilespmem:s3], [sflag:$0x1] =	stream.linear.gather [hbm4b:s4+s3], $0x2000, $0x38;
	[tilespmem:$0x2880] =	vst v63  }
0x11: {  	s0 =	rddreg [dreg:$0x1];
	s1 =	simm.s32 $0x2000  }
0x12: {  	[tilespmem:s1], [sflag:$0x2] =	stream.linear.gather [hbm4b:s0+s3], $0x8, $0x38;
	[tilespmem:$0x2880] =	vst v63  }
0x13: {  	_ =	swait.ge [sflag:s15], $0x8  }
0x14: {  	[sflag:s15] =	ssyncset.done $0x0  }
0x15: {  	s0 =	simm.s32 $0x20C0;
	[sflag:s15] =	ssyncadd.s32 $0xFFFFFFF8  }
0x16: {  	[tilespmem:s0+$0xFFFFFFC0] =	vst v0  }
0x17: {  	[tilespmem:s0+$0x30] =	vst v0  }
0x18: {  	[tilespmem:s0+$0x20] =	vst v0  }
0x19: {  	[tilespmem:s0+$0x10] =	vst v0  }
0x1a: {  	[tilespmem:s0+$0x0] =	vst v0  }
0x1b: {  	[tilespmem:s0+$0xFFFFFFF0] =	vst v0  }
0x1c: {  	s1 =	simm.s32 $0x0;
	[tilespmem:s0+$0xFFFFFFE0] =	vst v0  }
.LBB2_2:
0x1d: {  	s1 =	sadd.s32 $0x8, s1;
	[tilespmem:s0+$0xFFFFFFD0] =	vst v0;
	s0 =	sadd.s32 $0x80, s0  }
0x1e: {  	[tilespmem:s0+$0xFFFFFFC0] =	vst v0;
	p0 =	slt.u32 s1, $0x78  }
0x1f: {  	[tilespmem:s0+$0x30] =	vst v0  }
.Ltmp0:
0x20: {  	[tilespmem:s0+$0x20] =	vst v0;
	(pc) =	sbr.rel @p0 .LBB2_2-.Ltmp0, $4  }
0x21: {  	[tilespmem:s0+$0x10] =	vst v0  }
0x22: {  	[tilespmem:s0+$0x0] =	vst v0  }
0x23: {  	[tilespmem:s0+$0xFFFFFFF0] =	vst v0  }
0x24: {  	[tilespmem:s0+$0xFFFFFFE0] =	vst v0  }
0x25: {  	[tilespmem:s0+$0xFFFFFFD0] =	vst v0;
	s2 =	simm.s32 $0x0  }
0x26: {  	s1 =	simm.s32 $0x0;
	_ =	swait.ge [sflag:s16], $0x2000;
	s0 =	sand.u32 $0x7, s2  }
0x27: {  	s1 =	sand.u32 $0x3FFFFC00, s1;
	[sflag:s16] =	ssyncset.done $0x0;
	s29 =	sshll.u32 s0, $0x7  }
0x28: {  	[sflag:s16] =	ssyncadd.s32 $0xFFFFE000;
	s1 =	sor.u32 s29, s1  }
0x29: {  	v2 =	vld [tilespmem:s1+$0x0]  }
0x2a: {  	v3 =	vld [tilespmem:s1+$0x10]  }
0x2b: {  	s29 =	simm.s32 $0x1;
	v4 =	vld [tilespmem:s1+$0x20]  }
0x2c: {  	s30 =	simm.s32 $0x0;
	s31 =	sand.u32 $0x7, s29;
	s29 =	simm.s32 $0x80;
	v1 =	vld [tilespmem:$0x2000]  }
0x2d: {  	s30 =	sand.u32 $0xFFFFFF00, s30;
	v6 =	vld [tilespmem:s1+$0x26];
	s29 =	sand.u32 $0x3FFFFC00, s29;
	s2 =	sshll.u32 s31, $0x7  }
0x2e: {  	s1 =	sor.u32 s2, s29;
	s2 =	sadd.s32 $0xFFFFFFFF, s30;
	vm1 =	vgt.s32 v2, $0x0  }
0x2f: {  	v8 =	vld [tilespmem:s1+$0x0];
	v7 =	vadd.s32 s2, v2;
	vm3 =	vgt.s32 v3, $0x0  }
0x30: {  	v11 =	vld [tilespmem:s1+$0x10];
	v10 =	vadd.s32 s2, v3;
	vm4 =	vgt.s32 v4, $0x0  }
0x31: {  	s29 =	simm.s32 $0x2;
	v13 =	vld [tilespmem:s1+$0x20];
	v2 =	vmov s0;
	v12 =	vadd.s32 s2, v4  }
0x32: {  	s14 =	simm.s32 $0x100;
	s30 =	sand.u32 $0x7, s29;
	s0 =	simm.s32 $0x20;
	vm0 =	vgt.s32 v6, $0x0;
	v3 =	vperm.xlane v1, v2  }
0x33: {  	s14 =	sand.u32 $0x3FFFFC00, s14;
	v5 =	vld [tilespmem:s1+$0x26];
	v4 =	vmov s31;
	s31 =	sshll.u32 s30, $0x7;
	v6 =	vadd.s32 s2, v6;
	s0 =	sand.u32 $0xFFFFFF00, s0  }
0x34: {  	v2 =	vmov s30;
	s31 =	sor.u32 s31, s14;
	s0 =	sadd.s32 $0xFFFFFFFF, s0;
	[tilespmem:v7+s17+$0x0] =	vst.idx.msk vm1, v3  }
0x35: {  	s14 =	simm.s32 $0x40;
	v9 =	vadd.s32 s0, v8;
	vm2 =	vgt.s32 v11, $0x0;
	vm1 =	vgt.s32 v8, $0x0;
	v7 =	vld [tilespmem:s31+$0x0];
	[tilespmem:v10+s17+$0x0] =	vst.idx.msk vm3, v3  }
0x36: {  	s1 =	simm.s32 $0x8;
	s30 =	sand.u32 $0xFFFFFF00, s14;
	v11 =	vadd.s32 s0, v11;
	v10 =	vld [tilespmem:s31+$0x10];
	vm3 =	vgt.s32 v13, $0x0;
	v8 =	vadd.s32 s0, v13;
	[tilespmem:v12+s17+$0x0] =	vst.idx.msk vm4, v3  }
.LBB2_4:
0x37: {  	s1 =	sadd.s32 $0x4, s1  }
0x38: {  	v12 =	vld [tilespmem:s31+$0x20];
	s29 =	sadd.s32 $0x1, s29;
	[tilespmem:v6+s17+$0x0] =	vst.idx.msk vm0, v3;
	vm0 =	vgt.s32 v5, $0x0;
	p0 =	slt.u32 s1, $0xFC  }
.Ltmp1:
0x39: {  	v3 =	vperm.xlane v1, v4;
	v6 =	vadd.s32 s0, v5;
	v4 =	vmov v2;
	s2 =	sand.u32 $0x7, s29;
	s14 =	sshll.u32 s1, $0x5;
	v5 =	vld [tilespmem:s31+$0x26];
	(pc) =	sbr.rel @p0 .LBB2_4-.Ltmp1, $4  }
0x3a: {  	s0 =	sand.u32 $0x3FFFFC00, s14;
	s14 =	sshll.u32 s2, $0x7;
	v2 =	vmov s2;
	s2 =	sshll.u32 s1, $0x3  }
0x3b: {  	s31 =	sor.u32 s14, s0;
	s0 =	sadd.s32 $0xFFFFFFFF, s30;
	s30 =	sand.u32 $0xFFFFFF00, s2;
	[tilespmem:v9+s17+$0x0] =	vst.idx.msk vm1, v3;
	vm1 =	vgt.s32 v7, $0x0  }
0x3c: {  	v9 =	vadd.s32 s0, v7;
	v7 =	vld [tilespmem:s31+$0x0];
	[tilespmem:v11+s17+$0x0] =	vst.idx.msk vm2, v3;
	vm2 =	vgt.s32 v10, $0x0  }
0x3d: {  	v11 =	vadd.s32 s0, v10;
	v10 =	vld [tilespmem:s31+$0x10];
	[tilespmem:v8+s17+$0x0] =	vst.idx.msk vm3, v3;
	v8 =	vadd.s32 s0, v12;
	vm3 =	vgt.s32 v12, $0x0  }
0x3e: {  	_ = 	snop  }
0x3f: {  	v12 =	vld [tilespmem:s31+$0x20]  }
0x40: {  	v13 =	vld [tilespmem:s31+$0x26]  }
0x41: {  	vm4 =	vgt.s32 v5, $0x0  }
0x42: {  	v4 =	vperm.xlane v1, v4;
	v61 =	vadd.s32 s0, v5;
	s31 =	sadd.s32 $0xFFFFFFFF, s30;
	vm5 =	vgt.s32 v7, $0x0  }
0x43: {  	[tilespmem:v6+s17+$0x0] =	vst.idx.msk vm0, v3;
	v3 =	vadd.s32 s31, v7;
	vm13 =	vgt.s32 v10, $0x0  }
0x44: {  	[tilespmem:v9+s17+$0x0] =	vst.idx.msk vm1, v4;
	v62 =	vadd.s32 s31, v10;
	vm14 =	vgt.s32 v12, $0x0  }
0x45: {  	[tilespmem:v11+s17+$0x0] =	vst.idx.msk vm2, v4;
	v63 =	vadd.s32 s31, v12;
	vm15 =	vgt.s32 v13, $0x0  }
0x46: {  	v1 =	vperm.xlane v1, v2;
	[tilespmem:v8+s17+$0x0] =	vst.idx.msk vm3, v4;
	v2 =	vadd.s32 s31, v13  }
0x47: {  	[tilespmem:v61+s17+$0x0] =	vst.idx.msk vm4, v4  }
0x48: {  	[tilespmem:v3+s17+$0x0] =	vst.idx.msk vm5, v1  }
0x49: {  	[tilespmem:v62+s17+$0x0] =	vst.idx.msk vm13, v1  }
0x4a: {  	[tilespmem:v63+s17+$0x0] =	vst.idx.msk vm14, v1  }
0x4b: {  	[tilespmem:v2+s17+$0x0] =	vst.idx.msk vm15, v1  }
0x4c: {  	[hbm4b:s5+s18] =	stream.strided.scatter [tilespmem:s17], [sflag:$0x1], $0x100, s19, s18, $0x38;
	[tilespmem:$0x2880] =	vst v63  }
0x4d: {  	_ = 	snop  }
0x4e: {  	[hbm4b:s6+s18] =	stream.strided.scatter [tilespmem:s20], [sflag:$0x1], $0x100, s19, s18, $0x38;
	[tilespmem:$0x2880] =	vst v63  }
0x4f: {  	_ = 	snop  }
0x50: {  	[hbm4b:s7+s18] =	stream.strided.scatter [tilespmem:s21], [sflag:$0x1], $0x100, s19, s18, $0x38;
	[tilespmem:$0x2880] =	vst v63  }
0x51: {  	_ = 	snop  }
0x52: {  	[hbm4b:s8+s18] =	stream.strided.scatter [tilespmem:s22], [sflag:$0x1], $0x100, s19, s18, $0x38;
	[tilespmem:$0x2880] =	vst v63  }
0x53: {  	_ = 	snop  }
0x54: {  	[hbm4b:s9+s18] =	stream.strided.scatter [tilespmem:s23], [sflag:$0x1], $0x100, s19, s18, $0x38;
	[tilespmem:$0x2880] =	vst v63  }
0x55: {  	_ = 	snop  }
0x56: {  	[hbm4b:s10+s18] =	stream.strided.scatter [tilespmem:s24], [sflag:$0x1], $0x100, s19, s18, $0x38;
	[tilespmem:$0x2880] =	vst v63  }
0x57: {  	_ = 	snop  }
0x58: {  	[hbm4b:s11+s18] =	stream.strided.scatter [tilespmem:s25], [sflag:$0x1], $0x100, s19, s18, $0x38;
	[tilespmem:$0x2880] =	vst v63  }
0x59: {  	_ = 	snop  }
0x5a: {  	[hbm4b:s12+s18] =	stream.strided.scatter [tilespmem:s26], [sflag:$0x1], $0x100, s19, s18, $0x38;
	[tilespmem:$0x2880] =	vst v63  }
0x5b: {  	_ =	swait.ge [sflag:s16], $0x100  }
0x5c: {  	[sflag:s16] =	ssyncset.done $0x0  }
0x5d: {  	[sflag:s16] =	ssyncadd.s32 $0xFFFFFF00  }
0x5e: {  	_ =	swait.ge [sflag:s16], $0x100  }
0x5f: {  	[sflag:s16] =	ssyncset.done $0x0  }
0x60: {  	[sflag:s16] =	ssyncadd.s32 $0xFFFFFF00  }
0x61: {  	_ =	swait.ge [sflag:s16], $0x100  }
0x62: {  	[sflag:s16] =	ssyncset.done $0x0  }
0x63: {  	[sflag:s16] =	ssyncadd.s32 $0xFFFFFF00  }
0x64: {  	_ =	swait.ge [sflag:s16], $0x100  }
0x65: {  	[sflag:s16] =	ssyncset.done $0x0  }
0x66: {  	[sflag:s16] =	ssyncadd.s32 $0xFFFFFF00  }
0x67: {  	_ =	swait.ge [sflag:s16], $0x100  }
0x68: {  	[sflag:s16] =	ssyncset.done $0x0  }
0x69: {  	[sflag:s16] =	ssyncadd.s32 $0xFFFFFF00  }
0x6a: {  	_ =	swait.ge [sflag:s16], $0x100  }
0x6b: {  	[sflag:s16] =	ssyncset.done $0x0  }
0x6c: {  	s28 =	sadd.s32 $0x1, s28;
	[sflag:s16] =	ssyncadd.s32 $0xFFFFFF00  }
0x6d: {  	p0 =	sne.s32 s28, s13;
	_ =	swait.ge [sflag:s16], $0x100  }
.Ltmp2:
0x6e: {  	[sflag:s16] =	ssyncset.done $0x0;
	(pc) =	sbr.rel @p0 .LBB2_1-.Ltmp2, $4  }
0x6f: {  	[sflag:s16] =	ssyncadd.s32 $0xFFFFFF00  }
0x70: {  	_ =	swait.ge [sflag:s16], $0x100  }
0x71: {  	[sflag:s16] =	ssyncset.done $0x0  }
0x72: {  	[sflag:s16] =	ssyncadd.s32 $0xFFFFFF00  }
0x73: {  	_ =	sfence.sel $0x180000  }
0x74: {  	[bflag:$0x0] =	sbarrier.arrive $0xFFFF  }
0x75: {  	_ =	strace $0x90000047  }
0x76: {  	s0 =	stileid.u32;
	[bflag:$0x2] =	sbarrier.arrive $0xFFFF  }
0x77: {  	p0 =	sne.s32 s0, $0x0;
	s0 =	rddreg [dreg:$0x3]  }
0x78: {  	s0 =	sadd.s32 @!p0 $0x100000, s0  }
0x79: {  	[sflag:s0] =	ssyncadd.tile.s32 @!p0 $0x1;
	_ =	shalt  }
.Lfunc_end2:
_tile_overlayer_lowered:
.L_overlay_start_2:
0x7a: {  	(tag) =	ssettag $0x2  }
0x7b: {  	s0 =	rddreg [dreg:$0x0];
	s2 =	stileid.u32  }
0x7c: {  	s1 =	rddreg [dreg:$0x1];
	p0 =	sne.s32 s2, $0x0  }
0x7d: {  	s3 =	rddreg [dreg:$0x2];
	[bflag:$0x3] =	sbarrier.arrive $0xFFFF;
	s2 =	simm.s32 @!p0 $0x1C02  }
0x7e: {  	[timem:s3], [sflag:s2] =	dma.local @!p0 [hbm:s0], s1  }
0x7f: {  	s0 =	simm.s32 @!p0 $0x2  }
0x80: {  	_ =	swait.ge @!p0 [sflag:s0], s1  }
0x81: {  	s1 =	ssub.s32 @!p0 $0x0, s1;
	[sflag:s0] =	ssyncset.done @!p0 $0x0  }
0x82: {  	[sflag:s0] =	ssyncadd.s32 @!p0 s1  }
0x83: {  	[bflag:$0x3] =	sbarrier.arrive $0xFFFF  }
0x84: {  	_ =	shalt  }

</sc_bundles>
